<compile_context>
chip_gen: v7x
topology: tpu7x:2x2x1
jax: 0.10.2.dev20260603
libtpu: 0.0.44.dev20260713+nightly
codegen_flags: <defaults>
</compile_context>

<pallas_src>
import functools

import jax
import jax.numpy as jnp
from jax import lax
from jax.experimental import pallas as pl
from jax.experimental.pallas import tpu as pltpu
from jax.experimental.pallas import tpu_sc as plsc

_NC = 2
_NS = 16


_SC_CHUNKS = 4


def _make_sc_copy(n):
    nw = _NC * _NS
    per_w = n // nw
    ch = per_w // _SC_CHUNKS
    mesh = plsc.VectorSubcoreMesh(core_axis_name="c", subcore_axis_name="s")

    @functools.partial(
        pl.kernel,
        mesh=mesh,
        out_type=jax.ShapeDtypeStruct((n,), jnp.float32),
        scratch_types=[
            pltpu.VMEM((_SC_CHUNKS, ch), jnp.float32),
            pltpu.SemaphoreType.DMA((_SC_CHUNKS,)),
            pltpu.SemaphoreType.DMA((_SC_CHUNKS,)),
        ],
    )
    def copy_k(q_hbm, out_hbm, buf, insem, outsem):
        wid = lax.axis_index("s") * _NC + lax.axis_index("c")
        base = wid * per_w
        ins = [
            pltpu.make_async_copy(
                q_hbm.at[pl.ds(base + i * ch, ch)], buf.at[i], insem.at[i])
            for i in range(_SC_CHUNKS)
        ]
        outs = [
            pltpu.make_async_copy(
                buf.at[i], out_hbm.at[pl.ds(base + i * ch, ch)], outsem.at[i])
            for i in range(_SC_CHUNKS)
        ]
        for cp in ins:
            cp.start()
        for i in range(_SC_CHUNKS):
            ins[i].wait()
            outs[i].start()
        for i in range(_SC_CHUNKS):
            outs[i].wait()

    return copy_k


def kernel(c, q, emb_table):
    del c, emb_table
    rows, cols = q.shape
    n = rows * cols
    qf = q.T.reshape(n)
    out = _make_sc_copy(n)(qf)
    return out.reshape(cols, rows).T

# --- scband reference (transcript-rebuilt; emitter-appended) ---
"""Pipeline reference for scband-rnn-aq-model-62105227100827 (READ-ONLY COPY).

The authoritative reference and input builder live on the scoring server;
editing this copy changes nothing except your own understanding.
"""

import jax, jax.numpy as jnp
import numpy as np


def setup_inputs(seed: int = 0) -> dict:
    key = jax.random.key(seed)
    k1, k2, k3 = jax.random.split(key, 3)
    c = jax.random.randint(k1, (16384, 200), 0, 100000, dtype=jnp.int64) if jax.config.jax_enable_x64 else jax.random.randint(k1, (16384, 200), 0, 100000, dtype=jnp.int32)
    q = jax.random.normal(k2, (16384, 64), dtype=jnp.float32)
    # learned parameter per init_kwargs: nn.Embedding(vocab_size=100000, embedding_dim=64, padding_idx=0)
    emb_table = jax.random.normal(k3, (100000, 64), dtype=jnp.float32)
    emb_table = emb_table.at[0].set(0.0)  # padding_idx=0 row is zeroed
    return {"c": c, "q": q, "emb_table": emb_table}


def reference(c, q, emb_table):
    # Faithful translation of RnnAqModel.forward:
    #   def forward(self, batch):
    #       print(batch['c'])
    #       return batch['q']
    # The embedding table is a registered parameter but is NOT used in forward.
    # The print is a side effect with no numeric consequence; the output is batch['q'] unchanged.
    _ = c  # batch['c'] is only printed in the original
    _ = emb_table  # unused in forward, kept as module parameter
    return q

if __name__ == "__main__":
    import jax
    _d = setup_inputs()
    print(jax.jit(kernel)(*tuple(_d.values())))

</pallas_src>

<mosaic_0001>
#map = affine_map<(d0, d1) -> (0)>
module attributes {stable_mosaic.version = 14 : i64} {
  func.func @copy_k(%arg0: i32, %arg1: i32, %arg2: memref<1048576xf32, #tpu.memory_space<hbm>>, %arg3: memref<1048576xf32, #tpu.memory_space<hbm>>, %arg4: memref<4x8192xf32, #tpu.memory_space<vmem>>, %arg5: memref<4x!tpu.dma_semaphore, #tpu.memory_space<semaphore_mem>>, %arg6: memref<4x!tpu.dma_semaphore, #tpu.memory_space<semaphore_mem>>) attributes {dimension_semantics = [#tpu.dimension_semantics<core_parallel>, #tpu.dimension_semantics<subcore_parallel>], iteration_bounds = array<i64: 2, 16>, scalar_prefetch = 0 : i64, scratch_operands = 3 : i64, tpu.core_type = #tpu.core_type<sc_vector_subcore>, window_params = [{transform_indices = #map}, {transform_indices = #map}]} {
    %mul3A = arith.constant 2 : i32
    %mul3A_0 = arith.muli %arg1, %mul3A : i32
    %add3A = arith.addi %mul3A_0, %arg0 : i32
    %mul3A_1 = arith.constant 32768 : i32
    %mul3A_2 = arith.muli %add3A, %mul3A_1 : i32
    %add3A_3 = arith.constant 0 : i32
    %add3A_4 = arith.addi %mul3A_2, %add3A_3 : i32
    %add3A_5 = arith.constant 8192 : i32
    %add3A_6 = arith.addi %mul3A_2, %add3A_5 : i32
    %add3A_7 = arith.constant 16384 : i32
    %add3A_8 = arith.addi %mul3A_2, %add3A_7 : i32
    %add3A_9 = arith.constant 24576 : i32
    %add3A_10 = arith.addi %mul3A_2, %add3A_9 : i32
    %add3A_11 = arith.constant 0 : i32
    %add3A_12 = arith.addi %mul3A_2, %add3A_11 : i32
    %add3A_13 = arith.constant 8192 : i32
    %add3A_14 = arith.addi %mul3A_2, %add3A_13 : i32
    %add3A_15 = arith.constant 16384 : i32
    %add3A_16 = arith.addi %mul3A_2, %add3A_15 : i32
    %add3A_17 = arith.constant 24576 : i32
    %add3A_18 = arith.addi %mul3A_2, %add3A_17 : i32
    %dma_start3A = arith.constant 0 : i32
    %dma_start3A_19 = arith.constant 0 : i32
    %dma_start3A_20 = arith.constant 0 : i32
    %dma_start3A_21 = tpu.memref_slice %arg4[%dma_start3A, %dma_start3A_20] : memref<4x8192xf32, #tpu.memory_space<vmem>> -> memref<1x8192xf32, #tpu.memory_space<vmem>>
    %dma_start3A_22 = tpu.memref_squeeze %dma_start3A_21 : memref<1x8192xf32, #tpu.memory_space<vmem>> -> memref<8192xf32, #tpu.memory_space<vmem>>
    %dma_start3A_23 = tpu.memref_slice %arg2[%add3A_4] : memref<1048576xf32, #tpu.memory_space<hbm>> -> memref<8192xf32, #tpu.memory_space<hbm>>
    %dma_start3A_24 = tpu.memref_slice %arg5[%dma_start3A_19] : memref<4x!tpu.dma_semaphore, #tpu.memory_space<semaphore_mem>> -> memref<1x!tpu.dma_semaphore, #tpu.memory_space<semaphore_mem>>
    %dma_start3A_25 = tpu.memref_squeeze %dma_start3A_24 : memref<1x!tpu.dma_semaphore, #tpu.memory_space<semaphore_mem>> -> memref<!tpu.dma_semaphore, #tpu.memory_space<semaphore_mem>>
    %dma_start3A_26 = arith.constant 0 : i32
    %dma_start3A_27 = tpu.memref_slice %arg4[%dma_start3A, %dma_start3A_26] : memref<4x8192xf32, #tpu.memory_space<vmem>> -> memref<1x8192xf32, #tpu.memory_space<vmem>>
    %dma_start3A_28 = tpu.memref_squeeze %dma_start3A_27 : memref<1x8192xf32, #tpu.memory_space<vmem>> -> memref<8192xf32, #tpu.memory_space<vmem>>
    %dma_start3A_29 = tpu.memref_slice %arg2[%add3A_4] : memref<1048576xf32, #tpu.memory_space<hbm>> -> memref<8192xf32, #tpu.memory_space<hbm>>
    tpu.enqueue_dma source(%dma_start3A_29 : memref<8192xf32, #tpu.memory_space<hbm>>) target(%dma_start3A_28 : memref<8192xf32, #tpu.memory_space<vmem>>) target_semaphore(%dma_start3A_25 : memref<!tpu.dma_semaphore, #tpu.memory_space<semaphore_mem>>)
    %dma_start3A_30 = arith.constant 1 : i32
    %dma_start3A_31 = arith.constant 1 : i32
    %dma_start3A_32 = arith.constant 0 : i32
    %dma_start3A_33 = tpu.memref_slice %arg4[%dma_start3A_30, %dma_start3A_32] : memref<4x8192xf32, #tpu.memory_space<vmem>> -> memref<1x8192xf32, #tpu.memory_space<vmem>>
    %dma_start3A_34 = tpu.memref_squeeze %dma_start3A_33 : memref<1x8192xf32, #tpu.memory_space<vmem>> -> memref<8192xf32, #tpu.memory_space<vmem>>
    %dma_start3A_35 = tpu.memref_slice %arg2[%add3A_6] : memref<1048576xf32, #tpu.memory_space<hbm>> -> memref<8192xf32, #tpu.memory_space<hbm>>
    %dma_start3A_36 = tpu.memref_slice %arg5[%dma_start3A_31] : memref<4x!tpu.dma_semaphore, #tpu.memory_space<semaphore_mem>> -> memref<1x!tpu.dma_semaphore, #tpu.memory_space<semaphore_mem>>
    %dma_start3A_37 = tpu.memref_squeeze %dma_start3A_36 : memref<1x!tpu.dma_semaphore, #tpu.memory_space<semaphore_mem>> -> memref<!tpu.dma_semaphore, #tpu.memory_space<semaphore_mem>>
    %dma_start3A_38 = arith.constant 0 : i32
    %dma_start3A_39 = tpu.memref_slice %arg4[%dma_start3A_30, %dma_start3A_38] : memref<4x8192xf32, #tpu.memory_space<vmem>> -> memref<1x8192xf32, #tpu.memory_space<vmem>>
    %dma_start3A_40 = tpu.memref_squeeze %dma_start3A_39 : memref<1x8192xf32, #tpu.memory_space<vmem>> -> memref<8192xf32, #tpu.memory_space<vmem>>
    %dma_start3A_41 = tpu.memref_slice %arg2[%add3A_6] : memref<1048576xf32, #tpu.memory_space<hbm>> -> memref<8192xf32, #tpu.memory_space<hbm>>
    tpu.enqueue_dma source(%dma_start3A_41 : memref<8192xf32, #tpu.memory_space<hbm>>) target(%dma_start3A_40 : memref<8192xf32, #tpu.memory_space<vmem>>) target_semaphore(%dma_start3A_37 : memref<!tpu.dma_semaphore, #tpu.memory_space<semaphore_mem>>)
    %dma_start3A_42 = arith.constant 2 : i32
    %dma_start3A_43 = arith.constant 2 : i32
    %dma_start3A_44 = arith.constant 0 : i32
    %dma_start3A_45 = tpu.memref_slice %arg4[%dma_start3A_42, %dma_start3A_44] : memref<4x8192xf32, #tpu.memory_space<vmem>> -> memref<1x8192xf32, #tpu.memory_space<vmem>>
    %dma_start3A_46 = tpu.memref_squeeze %dma_start3A_45 : memref<1x8192xf32, #tpu.memory_space<vmem>> -> memref<8192xf32, #tpu.memory_space<vmem>>
    %dma_start3A_47 = tpu.memref_slice %arg2[%add3A_8] : memref<1048576xf32, #tpu.memory_space<hbm>> -> memref<8192xf32, #tpu.memory_space<hbm>>
    %dma_start3A_48 = tpu.memref_slice %arg5[%dma_start3A_43] : memref<4x!tpu.dma_semaphore, #tpu.memory_space<semaphore_mem>> -> memref<1x!tpu.dma_semaphore, #tpu.memory_space<semaphore_mem>>
    %dma_start3A_49 = tpu.memref_squeeze %dma_start3A_48 : memref<1x!tpu.dma_semaphore, #tpu.memory_space<semaphore_mem>> -> memref<!tpu.dma_semaphore, #tpu.memory_space<semaphore_mem>>
    %dma_start3A_50 = arith.constant 0 : i32
    %dma_start3A_51 = tpu.memref_slice %arg4[%dma_start3A_42, %dma_start3A_50] : memref<4x8192xf32, #tpu.memory_space<vmem>> -> memref<1x8192xf32, #tpu.memory_space<vmem>>
    %dma_start3A_52 = tpu.memref_squeeze %dma_start3A_51 : memref<1x8192xf32, #tpu.memory_space<vmem>> -> memref<8192xf32, #tpu.memory_space<vmem>>
    %dma_start3A_53 = tpu.memref_slice %arg2[%add3A_8] : memref<1048576xf32, #tpu.memory_space<hbm>> -> memref<8192xf32, #tpu.memory_space<hbm>>
    tpu.enqueue_dma source(%dma_start3A_53 : memref<8192xf32, #tpu.memory_space<hbm>>) target(%dma_start3A_52 : memref<8192xf32, #tpu.memory_space<vmem>>) target_semaphore(%dma_start3A_49 : memref<!tpu.dma_semaphore, #tpu.memory_space<semaphore_mem>>)
    %dma_start3A_54 = arith.constant 3 : i32
    %dma_start3A_55 = arith.constant 3 : i32
    %dma_start3A_56 = arith.constant 0 : i32
    %dma_start3A_57 = tpu.memref_slice %arg4[%dma_start3A_54, %dma_start3A_56] : memref<4x8192xf32, #tpu.memory_space<vmem>> -> memref<1x8192xf32, #tpu.memory_space<vmem>>
    %dma_start3A_58 = tpu.memref_squeeze %dma_start3A_57 : memref<1x8192xf32, #tpu.memory_space<vmem>> -> memref<8192xf32, #tpu.memory_space<vmem>>
    %dma_start3A_59 = tpu.memref_slice %arg2[%add3A_10] : memref<1048576xf32, #tpu.memory_space<hbm>> -> memref<8192xf32, #tpu.memory_space<hbm>>
    %dma_start3A_60 = tpu.memref_slice %arg5[%dma_start3A_55] : memref<4x!tpu.dma_semaphore, #tpu.memory_space<semaphore_mem>> -> memref<1x!tpu.dma_semaphore, #tpu.memory_space<semaphore_mem>>
    %dma_start3A_61 = tpu.memref_squeeze %dma_start3A_60 : memref<1x!tpu.dma_semaphore, #tpu.memory_space<semaphore_mem>> -> memref<!tpu.dma_semaphore, #tpu.memory_space<semaphore_mem>>
    %dma_start3A_62 = arith.constant 0 : i32
    %dma_start3A_63 = tpu.memref_slice %arg4[%dma_start3A_54, %dma_start3A_62] : memref<4x8192xf32, #tpu.memory_space<vmem>> -> memref<1x8192xf32, #tpu.memory_space<vmem>>
    %dma_start3A_64 = tpu.memref_squeeze %dma_start3A_63 : memref<1x8192xf32, #tpu.memory_space<vmem>> -> memref<8192xf32, #tpu.memory_space<vmem>>
    %dma_start3A_65 = tpu.memref_slice %arg2[%add3A_10] : memref<1048576xf32, #tpu.memory_space<hbm>> -> memref<8192xf32, #tpu.memory_space<hbm>>
    tpu.enqueue_dma source(%dma_start3A_65 : memref<8192xf32, #tpu.memory_space<hbm>>) target(%dma_start3A_64 : memref<8192xf32, #tpu.memory_space<vmem>>) target_semaphore(%dma_start3A_61 : memref<!tpu.dma_semaphore, #tpu.memory_space<semaphore_mem>>)
    %dma_wait3A = arith.constant 0 : i32
    %dma_wait3A_66 = arith.constant 0 : i32
    %dma_wait3A_67 = arith.constant 0 : i32
    %dma_wait3A_68 = tpu.memref_slice %arg4[%dma_wait3A, %dma_wait3A_67] : memref<4x8192xf32, #tpu.memory_space<vmem>> -> memref<1x8192xf32, #tpu.memory_space<vmem>>
    %dma_wait3A_69 = tpu.memref_squeeze %dma_wait3A_68 : memref<1x8192xf32, #tpu.memory_space<vmem>> -> memref<8192xf32, #tpu.memory_space<vmem>>
    %dma_wait3A_70 = tpu.memref_slice %arg2[%add3A_4] : memref<1048576xf32, #tpu.memory_space<hbm>> -> memref<8192xf32, #tpu.memory_space<hbm>>
    %dma_wait3A_71 = tpu.memref_slice %arg5[%dma_wait3A_66] : memref<4x!tpu.dma_semaphore, #tpu.memory_space<semaphore_mem>> -> memref<1x!tpu.dma_semaphore, #tpu.memory_space<semaphore_mem>>
    %dma_wait3A_72 = tpu.memref_squeeze %dma_wait3A_71 : memref<1x!tpu.dma_semaphore, #tpu.memory_space<semaphore_mem>> -> memref<!tpu.dma_semaphore, #tpu.memory_space<semaphore_mem>>
    %dma_wait3A_73 = arith.constant 0 : i32
    %dma_wait3A_74 = tpu.memref_slice %arg4[%dma_wait3A, %dma_wait3A_73] : memref<4x8192xf32, #tpu.memory_space<vmem>> -> memref<1x8192xf32, #tpu.memory_space<vmem>>
    %dma_wait3A_75 = tpu.memref_squeeze %dma_wait3A_74 : memref<1x8192xf32, #tpu.memory_space<vmem>> -> memref<8192xf32, #tpu.memory_space<vmem>>
    %dma_wait3A_76 = tpu.memref_slice %arg2[%add3A_4] : memref<1048576xf32, #tpu.memory_space<hbm>> -> memref<8192xf32, #tpu.memory_space<hbm>>
    tpu.wait_dma2 semaphore(%dma_wait3A_72 : memref<!tpu.dma_semaphore, #tpu.memory_space<semaphore_mem>>) src(%dma_wait3A_76 : memref<8192xf32, #tpu.memory_space<hbm>>) dst(%dma_wait3A_75 : memref<8192xf32, #tpu.memory_space<vmem>>)
    %dma_start3A_77 = arith.constant 0 : i32
    %dma_start3A_78 = arith.constant 0 : i32
    %dma_start3A_79 = arith.constant 0 : i32
    %dma_start3A_80 = tpu.memref_slice %arg4[%dma_start3A_77, %dma_start3A_79] : memref<4x8192xf32, #tpu.memory_space<vmem>> -> memref<1x8192xf32, #tpu.memory_space<vmem>>
    %dma_start3A_81 = tpu.memref_squeeze %dma_start3A_80 : memref<1x8192xf32, #tpu.memory_space<vmem>> -> memref<8192xf32, #tpu.memory_space<vmem>>
    %dma_start3A_82 = tpu.memref_slice %arg3[%add3A_12] : memref<1048576xf32, #tpu.memory_space<hbm>> -> memref<8192xf32, #tpu.memory_space<hbm>>
    %dma_start3A_83 = tpu.memref_slice %arg6[%dma_start3A_78] : memref<4x!tpu.dma_semaphore, #tpu.memory_space<semaphore_mem>> -> memref<1x!tpu.dma_semaphore, #tpu.memory_space<semaphore_mem>>
    %dma_start3A_84 = tpu.memref_squeeze %dma_start3A_83 : memref<1x!tpu.dma_semaphore, #tpu.memory_space<semaphore_mem>> -> memref<!tpu.dma_semaphore, #tpu.memory_space<semaphore_mem>>
    %dma_start3A_85 = tpu.memref_slice %arg3[%add3A_12] : memref<1048576xf32, #tpu.memory_space<hbm>> -> memref<8192xf32, #tpu.memory_space<hbm>>
    %dma_start3A_86 = arith.constant 0 : i32
    %dma_start3A_87 = tpu.memref_slice %arg4[%dma_start3A_77, %dma_start3A_86] : memref<4x8192xf32, #tpu.memory_space<vmem>> -> memref<1x8192xf32, #tpu.memory_space<vmem>>
    %dma_start3A_88 = tpu.memref_squeeze %dma_start3A_87 : memref<1x8192xf32, #tpu.memory_space<vmem>> -> memref<8192xf32, #tpu.memory_space<vmem>>
    tpu.enqueue_dma source(%dma_start3A_88 : memref<8192xf32, #tpu.memory_space<vmem>>) target(%dma_start3A_85 : memref<8192xf32, #tpu.memory_space<hbm>>) target_semaphore(%dma_start3A_84 : memref<!tpu.dma_semaphore, #tpu.memory_space<semaphore_mem>>)
    %dma_wait3A_89 = arith.constant 1 : i32
    %dma_wait3A_90 = arith.constant 1 : i32
    %dma_wait3A_91 = arith.constant 0 : i32
    %dma_wait3A_92 = tpu.memref_slice %arg4[%dma_wait3A_89, %dma_wait3A_91] : memref<4x8192xf32, #tpu.memory_space<vmem>> -> memref<1x8192xf32, #tpu.memory_space<vmem>>
    %dma_wait3A_93 = tpu.memref_squeeze %dma_wait3A_92 : memref<1x8192xf32, #tpu.memory_space<vmem>> -> memref<8192xf32, #tpu.memory_space<vmem>>
    %dma_wait3A_94 = tpu.memref_slice %arg2[%add3A_6] : memref<1048576xf32, #tpu.memory_space<hbm>> -> memref<8192xf32, #tpu.memory_space<hbm>>
    %dma_wait3A_95 = tpu.memref_slice %arg5[%dma_wait3A_90] : memref<4x!tpu.dma_semaphore, #tpu.memory_space<semaphore_mem>> -> memref<1x!tpu.dma_semaphore, #tpu.memory_space<semaphore_mem>>
    %dma_wait3A_96 = tpu.memref_squeeze %dma_wait3A_95 : memref<1x!tpu.dma_semaphore, #tpu.memory_space<semaphore_mem>> -> memref<!tpu.dma_semaphore, #tpu.memory_space<semaphore_mem>>
    %dma_wait3A_97 = arith.constant 0 : i32
    %dma_wait3A_98 = tpu.memref_slice %arg4[%dma_wait3A_89, %dma_wait3A_97] : memref<4x8192xf32, #tpu.memory_space<vmem>> -> memref<1x8192xf32, #tpu.memory_space<vmem>>
    %dma_wait3A_99 = tpu.memref_squeeze %dma_wait3A_98 : memref<1x8192xf32, #tpu.memory_space<vmem>> -> memref<8192xf32, #tpu.memory_space<vmem>>
    %dma_wait3A_100 = tpu.memref_slice %arg2[%add3A_6] : memref<1048576xf32, #tpu.memory_space<hbm>> -> memref<8192xf32, #tpu.memory_space<hbm>>
    tpu.wait_dma2 semaphore(%dma_wait3A_96 : memref<!tpu.dma_semaphore, #tpu.memory_space<semaphore_mem>>) src(%dma_wait3A_100 : memref<8192xf32, #tpu.memory_space<hbm>>) dst(%dma_wait3A_99 : memref<8192xf32, #tpu.memory_space<vmem>>)
    %dma_start3A_101 = arith.constant 1 : i32
    %dma_start3A_102 = arith.constant 1 : i32
    %dma_start3A_103 = arith.constant 0 : i32
    %dma_start3A_104 = tpu.memref_slice %arg4[%dma_start3A_101, %dma_start3A_103] : memref<4x8192xf32, #tpu.memory_space<vmem>> -> memref<1x8192xf32, #tpu.memory_space<vmem>>
    %dma_start3A_105 = tpu.memref_squeeze %dma_start3A_104 : memref<1x8192xf32, #tpu.memory_space<vmem>> -> memref<8192xf32, #tpu.memory_space<vmem>>
    %dma_start3A_106 = tpu.memref_slice %arg3[%add3A_14] : memref<1048576xf32, #tpu.memory_space<hbm>> -> memref<8192xf32, #tpu.memory_space<hbm>>
    %dma_start3A_107 = tpu.memref_slice %arg6[%dma_start3A_102] : memref<4x!tpu.dma_semaphore, #tpu.memory_space<semaphore_mem>> -> memref<1x!tpu.dma_semaphore, #tpu.memory_space<semaphore_mem>>
    %dma_start3A_108 = tpu.memref_squeeze %dma_start3A_107 : memref<1x!tpu.dma_semaphore, #tpu.memory_space<semaphore_mem>> -> memref<!tpu.dma_semaphore, #tpu.memory_space<semaphore_mem>>
    %dma_start3A_109 = tpu.memref_slice %arg3[%add3A_14] : memref<1048576xf32, #tpu.memory_space<hbm>> -> memref<8192xf32, #tpu.memory_space<hbm>>
    %dma_start3A_110 = arith.constant 0 : i32
    %dma_start3A_111 = tpu.memref_slice %arg4[%dma_start3A_101, %dma_start3A_110] : memref<4x8192xf32, #tpu.memory_space<vmem>> -> memref<1x8192xf32, #tpu.memory_space<vmem>>
    %dma_start3A_112 = tpu.memref_squeeze %dma_start3A_111 : memref<1x8192xf32, #tpu.memory_space<vmem>> -> memref<8192xf32, #tpu.memory_space<vmem>>
    tpu.enqueue_dma source(%dma_start3A_112 : memref<8192xf32, #tpu.memory_space<vmem>>) target(%dma_start3A_109 : memref<8192xf32, #tpu.memory_space<hbm>>) target_semaphore(%dma_start3A_108 : memref<!tpu.dma_semaphore, #tpu.memory_space<semaphore_mem>>)
    %dma_wait3A_113 = arith.constant 2 : i32
    %dma_wait3A_114 = arith.constant 2 : i32
    %dma_wait3A_115 = arith.constant 0 : i32
    %dma_wait3A_116 = tpu.memref_slice %arg4[%dma_wait3A_113, %dma_wait3A_115] : memref<4x8192xf32, #tpu.memory_space<vmem>> -> memref<1x8192xf32, #tpu.memory_space<vmem>>
    %dma_wait3A_117 = tpu.memref_squeeze %dma_wait3A_116 : memref<1x8192xf32, #tpu.memory_space<vmem>> -> memref<8192xf32, #tpu.memory_space<vmem>>
    %dma_wait3A_118 = tpu.memref_slice %arg2[%add3A_8] : memref<1048576xf32, #tpu.memory_space<hbm>> -> memref<8192xf32, #tpu.memory_space<hbm>>
    %dma_wait3A_119 = tpu.memref_slice %arg5[%dma_wait3A_114] : memref<4x!tpu.dma_semaphore, #tpu.memory_space<semaphore_mem>> -> memref<1x!tpu.dma_semaphore, #tpu.memory_space<semaphore_mem>>
    %dma_wait3A_120 = tpu.memref_squeeze %dma_wait3A_119 : memref<1x!tpu.dma_semaphore, #tpu.memory_space<semaphore_mem>> -> memref<!tpu.dma_semaphore, #tpu.memory_space<semaphore_mem>>
    %dma_wait3A_121 = arith.constant 0 : i32
    %dma_wait3A_122 = tpu.memref_slice %arg4[%dma_wait3A_113, %dma_wait3A_121] : memref<4x8192xf32, #tpu.memory_space<vmem>> -> memref<1x8192xf32, #tpu.memory_space<vmem>>
    %dma_wait3A_123 = tpu.memref_squeeze %dma_wait3A_122 : memref<1x8192xf32, #tpu.memory_space<vmem>> -> memref<8192xf32, #tpu.memory_space<vmem>>
    %dma_wait3A_124 = tpu.memref_slice %arg2[%add3A_8] : memref<1048576xf32, #tpu.memory_space<hbm>> -> memref<8192xf32, #tpu.memory_space<hbm>>
    tpu.wait_dma2 semaphore(%dma_wait3A_120 : memref<!tpu.dma_semaphore, #tpu.memory_space<semaphore_mem>>) src(%dma_wait3A_124 : memref<8192xf32, #tpu.memory_space<hbm>>) dst(%dma_wait3A_123 : memref<8192xf32, #tpu.memory_space<vmem>>)
    %dma_start3A_125 = arith.constant 2 : i32
    %dma_start3A_126 = arith.constant 2 : i32
    %dma_start3A_127 = arith.constant 0 : i32
    %dma_start3A_128 = tpu.memref_slice %arg4[%dma_start3A_125, %dma_start3A_127] : memref<4x8192xf32, #tpu.memory_space<vmem>> -> memref<1x8192xf32, #tpu.memory_space<vmem>>
    %dma_start3A_129 = tpu.memref_squeeze %dma_start3A_128 : memref<1x8192xf32, #tpu.memory_space<vmem>> -> memref<8192xf32, #tpu.memory_space<vmem>>
    %dma_start3A_130 = tpu.memref_slice %arg3[%add3A_16] : memref<1048576xf32, #tpu.memory_space<hbm>> -> memref<8192xf32, #tpu.memory_space<hbm>>
    %dma_start3A_131 = tpu.memref_slice %arg6[%dma_start3A_126] : memref<4x!tpu.dma_semaphore, #tpu.memory_space<semaphore_mem>> -> memref<1x!tpu.dma_semaphore, #tpu.memory_space<semaphore_mem>>
    %dma_start3A_132 = tpu.memref_squeeze %dma_start3A_131 : memref<1x!tpu.dma_semaphore, #tpu.memory_space<semaphore_mem>> -> memref<!tpu.dma_semaphore, #tpu.memory_space<semaphore_mem>>
    %dma_start3A_133 = tpu.memref_slice %arg3[%add3A_16] : memref<1048576xf32, #tpu.memory_space<hbm>> -> memref<8192xf32, #tpu.memory_space<hbm>>
    %dma_start3A_134 = arith.constant 0 : i32
    %dma_start3A_135 = tpu.memref_slice %arg4[%dma_start3A_125, %dma_start3A_134] : memref<4x8192xf32, #tpu.memory_space<vmem>> -> memref<1x8192xf32, #tpu.memory_space<vmem>>
    %dma_start3A_136 = tpu.memref_squeeze %dma_start3A_135 : memref<1x8192xf32, #tpu.memory_space<vmem>> -> memref<8192xf32, #tpu.memory_space<vmem>>
    tpu.enqueue_dma source(%dma_start3A_136 : memref<8192xf32, #tpu.memory_space<vmem>>) target(%dma_start3A_133 : memref<8192xf32, #tpu.memory_space<hbm>>) target_semaphore(%dma_start3A_132 : memref<!tpu.dma_semaphore, #tpu.memory_space<semaphore_mem>>)
    %dma_wait3A_137 = arith.constant 3 : i32
    %dma_wait3A_138 = arith.constant 3 : i32
    %dma_wait3A_139 = arith.constant 0 : i32
    %dma_wait3A_140 = tpu.memref_slice %arg4[%dma_wait3A_137, %dma_wait3A_139] : memref<4x8192xf32, #tpu.memory_space<vmem>> -> memref<1x8192xf32, #tpu.memory_space<vmem>>
    %dma_wait3A_141 = tpu.memref_squeeze %dma_wait3A_140 : memref<1x8192xf32, #tpu.memory_space<vmem>> -> memref<8192xf32, #tpu.memory_space<vmem>>
    %dma_wait3A_142 = tpu.memref_slice %arg2[%add3A_10] : memref<1048576xf32, #tpu.memory_space<hbm>> -> memref<8192xf32, #tpu.memory_space<hbm>>
    %dma_wait3A_143 = tpu.memref_slice %arg5[%dma_wait3A_138] : memref<4x!tpu.dma_semaphore, #tpu.memory_space<semaphore_mem>> -> memref<1x!tpu.dma_semaphore, #tpu.memory_space<semaphore_mem>>
    %dma_wait3A_144 = tpu.memref_squeeze %dma_wait3A_143 : memref<1x!tpu.dma_semaphore, #tpu.memory_space<semaphore_mem>> -> memref<!tpu.dma_semaphore, #tpu.memory_space<semaphore_mem>>
    %dma_wait3A_145 = arith.constant 0 : i32
    %dma_wait3A_146 = tpu.memref_slice %arg4[%dma_wait3A_137, %dma_wait3A_145] : memref<4x8192xf32, #tpu.memory_space<vmem>> -> memref<1x8192xf32, #tpu.memory_space<vmem>>
    %dma_wait3A_147 = tpu.memref_squeeze %dma_wait3A_146 : memref<1x8192xf32, #tpu.memory_space<vmem>> -> memref<8192xf32, #tpu.memory_space<vmem>>
    %dma_wait3A_148 = tpu.memref_slice %arg2[%add3A_10] : memref<1048576xf32, #tpu.memory_space<hbm>> -> memref<8192xf32, #tpu.memory_space<hbm>>
    tpu.wait_dma2 semaphore(%dma_wait3A_144 : memref<!tpu.dma_semaphore, #tpu.memory_space<semaphore_mem>>) src(%dma_wait3A_148 : memref<8192xf32, #tpu.memory_space<hbm>>) dst(%dma_wait3A_147 : memref<8192xf32, #tpu.memory_space<vmem>>)
    %dma_start3A_149 = arith.constant 3 : i32
    %dma_start3A_150 = arith.constant 3 : i32
    %dma_start3A_151 = arith.constant 0 : i32
    %dma_start3A_152 = tpu.memref_slice %arg4[%dma_start3A_149, %dma_start3A_151] : memref<4x8192xf32, #tpu.memory_space<vmem>> -> memref<1x8192xf32, #tpu.memory_space<vmem>>
    %dma_start3A_153 = tpu.memref_squeeze %dma_start3A_152 : memref<1x8192xf32, #tpu.memory_space<vmem>> -> memref<8192xf32, #tpu.memory_space<vmem>>
    %dma_start3A_154 = tpu.memref_slice %arg3[%add3A_18] : memref<1048576xf32, #tpu.memory_space<hbm>> -> memref<8192xf32, #tpu.memory_space<hbm>>
    %dma_start3A_155 = tpu.memref_slice %arg6[%dma_start3A_150] : memref<4x!tpu.dma_semaphore, #tpu.memory_space<semaphore_mem>> -> memref<1x!tpu.dma_semaphore, #tpu.memory_space<semaphore_mem>>
    %dma_start3A_156 = tpu.memref_squeeze %dma_start3A_155 : memref<1x!tpu.dma_semaphore, #tpu.memory_space<semaphore_mem>> -> memref<!tpu.dma_semaphore, #tpu.memory_space<semaphore_mem>>
    %dma_start3A_157 = tpu.memref_slice %arg3[%add3A_18] : memref<1048576xf32, #tpu.memory_space<hbm>> -> memref<8192xf32, #tpu.memory_space<hbm>>
    %dma_start3A_158 = arith.constant 0 : i32
    %dma_start3A_159 = tpu.memref_slice %arg4[%dma_start3A_149, %dma_start3A_158] : memref<4x8192xf32, #tpu.memory_space<vmem>> -> memref<1x8192xf32, #tpu.memory_space<vmem>>
    %dma_start3A_160 = tpu.memref_squeeze %dma_start3A_159 : memref<1x8192xf32, #tpu.memory_space<vmem>> -> memref<8192xf32, #tpu.memory_space<vmem>>
    tpu.enqueue_dma source(%dma_start3A_160 : memref<8192xf32, #tpu.memory_space<vmem>>) target(%dma_start3A_157 : memref<8192xf32, #tpu.memory_space<hbm>>) target_semaphore(%dma_start3A_156 : memref<!tpu.dma_semaphore, #tpu.memory_space<semaphore_mem>>)
    %dma_wait3A_161 = arith.constant 0 : i32
    %dma_wait3A_162 = arith.constant 0 : i32
    %dma_wait3A_163 = arith.constant 0 : i32
    %dma_wait3A_164 = tpu.memref_slice %arg4[%dma_wait3A_161, %dma_wait3A_163] : memref<4x8192xf32, #tpu.memory_space<vmem>> -> memref<1x8192xf32, #tpu.memory_space<vmem>>
    %dma_wait3A_165 = tpu.memref_squeeze %dma_wait3A_164 : memref<1x8192xf32, #tpu.memory_space<vmem>> -> memref<8192xf32, #tpu.memory_space<vmem>>
    %dma_wait3A_166 = tpu.memref_slice %arg3[%add3A_12] : memref<1048576xf32, #tpu.memory_space<hbm>> -> memref<8192xf32, #tpu.memory_space<hbm>>
    %dma_wait3A_167 = tpu.memref_slice %arg6[%dma_wait3A_162] : memref<4x!tpu.dma_semaphore, #tpu.memory_space<semaphore_mem>> -> memref<1x!tpu.dma_semaphore, #tpu.memory_space<semaphore_mem>>
    %dma_wait3A_168 = tpu.memref_squeeze %dma_wait3A_167 : memref<1x!tpu.dma_semaphore, #tpu.memory_space<semaphore_mem>> -> memref<!tpu.dma_semaphore, #tpu.memory_space<semaphore_mem>>
    %dma_wait3A_169 = tpu.memref_slice %arg3[%add3A_12] : memref<1048576xf32, #tpu.memory_space<hbm>> -> memref<8192xf32, #tpu.memory_space<hbm>>
    %dma_wait3A_170 = arith.constant 0 : i32
    %dma_wait3A_171 = tpu.memref_slice %arg4[%dma_wait3A_161, %dma_wait3A_170] : memref<4x8192xf32, #tpu.memory_space<vmem>> -> memref<1x8192xf32, #tpu.memory_space<vmem>>
    %dma_wait3A_172 = tpu.memref_squeeze %dma_wait3A_171 : memref<1x8192xf32, #tpu.memory_space<vmem>> -> memref<8192xf32, #tpu.memory_space<vmem>>
    tpu.wait_dma2 semaphore(%dma_wait3A_168 : memref<!tpu.dma_semaphore, #tpu.memory_space<semaphore_mem>>) src(%dma_wait3A_172 : memref<8192xf32, #tpu.memory_space<vmem>>) dst(%dma_wait3A_169 : memref<8192xf32, #tpu.memory_space<hbm>>)
    %dma_wait3A_173 = arith.constant 1 : i32
    %dma_wait3A_174 = arith.constant 1 : i32
    %dma_wait3A_175 = arith.constant 0 : i32
    %dma_wait3A_176 = tpu.memref_slice %arg4[%dma_wait3A_173, %dma_wait3A_175] : memref<4x8192xf32, #tpu.memory_space<vmem>> -> memref<1x8192xf32, #tpu.memory_space<vmem>>
    %dma_wait3A_177 = tpu.memref_squeeze %dma_wait3A_176 : memref<1x8192xf32, #tpu.memory_space<vmem>> -> memref<8192xf32, #tpu.memory_space<vmem>>
    %dma_wait3A_178 = tpu.memref_slice %arg3[%add3A_14] : memref<1048576xf32, #tpu.memory_space<hbm>> -> memref<8192xf32, #tpu.memory_space<hbm>>
    %dma_wait3A_179 = tpu.memref_slice %arg6[%dma_wait3A_174] : memref<4x!tpu.dma_semaphore, #tpu.memory_space<semaphore_mem>> -> memref<1x!tpu.dma_semaphore, #tpu.memory_space<semaphore_mem>>
    %dma_wait3A_180 = tpu.memref_squeeze %dma_wait3A_179 : memref<1x!tpu.dma_semaphore, #tpu.memory_space<semaphore_mem>> -> memref<!tpu.dma_semaphore, #tpu.memory_space<semaphore_mem>>
    %dma_wait3A_181 = tpu.memref_slice %arg3[%add3A_14] : memref<1048576xf32, #tpu.memory_space<hbm>> -> memref<8192xf32, #tpu.memory_space<hbm>>
    %dma_wait3A_182 = arith.constant 0 : i32
    %dma_wait3A_183 = tpu.memref_slice %arg4[%dma_wait3A_173, %dma_wait3A_182] : memref<4x8192xf32, #tpu.memory_space<vmem>> -> memref<1x8192xf32, #tpu.memory_space<vmem>>
    %dma_wait3A_184 = tpu.memref_squeeze %dma_wait3A_183 : memref<1x8192xf32, #tpu.memory_space<vmem>> -> memref<8192xf32, #tpu.memory_space<vmem>>
    tpu.wait_dma2 semaphore(%dma_wait3A_180 : memref<!tpu.dma_semaphore, #tpu.memory_space<semaphore_mem>>) src(%dma_wait3A_184 : memref<8192xf32, #tpu.memory_space<vmem>>) dst(%dma_wait3A_181 : memref<8192xf32, #tpu.memory_space<hbm>>)
    %dma_wait3A_185 = arith.constant 2 : i32
    %dma_wait3A_186 = arith.constant 2 : i32
    %dma_wait3A_187 = arith.constant 0 : i32
    %dma_wait3A_188 = tpu.memref_slice %arg4[%dma_wait3A_185, %dma_wait3A_187] : memref<4x8192xf32, #tpu.memory_space<vmem>> -> memref<1x8192xf32, #tpu.memory_space<vmem>>
    %dma_wait3A_189 = tpu.memref_squeeze %dma_wait3A_188 : memref<1x8192xf32, #tpu.memory_space<vmem>> -> memref<8192xf32, #tpu.memory_space<vmem>>
    %dma_wait3A_190 = tpu.memref_slice %arg3[%add3A_16] : memref<1048576xf32, #tpu.memory_space<hbm>> -> memref<8192xf32, #tpu.memory_space<hbm>>
    %dma_wait3A_191 = tpu.memref_slice %arg6[%dma_wait3A_186] : memref<4x!tpu.dma_semaphore, #tpu.memory_space<semaphore_mem>> -> memref<1x!tpu.dma_semaphore, #tpu.memory_space<semaphore_mem>>
    %dma_wait3A_192 = tpu.memref_squeeze %dma_wait3A_191 : memref<1x!tpu.dma_semaphore, #tpu.memory_space<semaphore_mem>> -> memref<!tpu.dma_semaphore, #tpu.memory_space<semaphore_mem>>
    %dma_wait3A_193 = tpu.memref_slice %arg3[%add3A_16] : memref<1048576xf32, #tpu.memory_space<hbm>> -> memref<8192xf32, #tpu.memory_space<hbm>>
    %dma_wait3A_194 = arith.constant 0 : i32
    %dma_wait3A_195 = tpu.memref_slice %arg4[%dma_wait3A_185, %dma_wait3A_194] : memref<4x8192xf32, #tpu.memory_space<vmem>> -> memref<1x8192xf32, #tpu.memory_space<vmem>>
    %dma_wait3A_196 = tpu.memref_squeeze %dma_wait3A_195 : memref<1x8192xf32, #tpu.memory_space<vmem>> -> memref<8192xf32, #tpu.memory_space<vmem>>
    tpu.wait_dma2 semaphore(%dma_wait3A_192 : memref<!tpu.dma_semaphore, #tpu.memory_space<semaphore_mem>>) src(%dma_wait3A_196 : memref<8192xf32, #tpu.memory_space<vmem>>) dst(%dma_wait3A_193 : memref<8192xf32, #tpu.memory_space<hbm>>)
    %dma_wait3A_197 = arith.constant 3 : i32
    %dma_wait3A_198 = arith.constant 3 : i32
    %dma_wait3A_199 = arith.constant 0 : i32
    %dma_wait3A_200 = tpu.memref_slice %arg4[%dma_wait3A_197, %dma_wait3A_199] : memref<4x8192xf32, #tpu.memory_space<vmem>> -> memref<1x8192xf32, #tpu.memory_space<vmem>>
    %dma_wait3A_201 = tpu.memref_squeeze %dma_wait3A_200 : memref<1x8192xf32, #tpu.memory_space<vmem>> -> memref<8192xf32, #tpu.memory_space<vmem>>
    %dma_wait3A_202 = tpu.memref_slice %arg3[%add3A_18] : memref<1048576xf32, #tpu.memory_space<hbm>> -> memref<8192xf32, #tpu.memory_space<hbm>>
    %dma_wait3A_203 = tpu.memref_slice %arg6[%dma_wait3A_198] : memref<4x!tpu.dma_semaphore, #tpu.memory_space<semaphore_mem>> -> memref<1x!tpu.dma_semaphore, #tpu.memory_space<semaphore_mem>>
    %dma_wait3A_204 = tpu.memref_squeeze %dma_wait3A_203 : memref<1x!tpu.dma_semaphore, #tpu.memory_space<semaphore_mem>> -> memref<!tpu.dma_semaphore, #tpu.memory_space<semaphore_mem>>
    %dma_wait3A_205 = tpu.memref_slice %arg3[%add3A_18] : memref<1048576xf32, #tpu.memory_space<hbm>> -> memref<8192xf32, #tpu.memory_space<hbm>>
    %dma_wait3A_206 = arith.constant 0 : i32
    %dma_wait3A_207 = tpu.memref_slice %arg4[%dma_wait3A_197, %dma_wait3A_206] : memref<4x8192xf32, #tpu.memory_space<vmem>> -> memref<1x8192xf32, #tpu.memory_space<vmem>>
    %dma_wait3A_208 = tpu.memref_squeeze %dma_wait3A_207 : memref<1x8192xf32, #tpu.memory_space<vmem>> -> memref<8192xf32, #tpu.memory_space<vmem>>
    tpu.wait_dma2 semaphore(%dma_wait3A_204 : memref<!tpu.dma_semaphore, #tpu.memory_space<semaphore_mem>>) src(%dma_wait3A_208 : memref<8192xf32, #tpu.memory_space<vmem>>) dst(%dma_wait3A_205 : memref<8192xf32, #tpu.memory_space<hbm>>)
    return
  }
}

</mosaic_0001>

<sc_bundles>
// kernel: kernel.3.cloned.1.call-start
scs
__scs_entry_jumppad:
0x0: {  	(pc) =	sbr.rel $0x88, $3  }
0x1: {  	(tag) =	ssettag $0x0;
	lr =	simm.s32 $0x1  }
0x2: {  	[smem:$0x3FA0] =	sst lr;
	_ =	strace $0xD0000000  }
0x3: {  	_ = 	snop  }
0x4: {  	_ = 	snop  }
0x5: {  	_ = 	snop  }
0x6: {  	_ = 	snop  }
0x7: {  	_ = 	snop  }
__scs_overlays_trampoline_lowered:
0x8: {  	[smem:$0x3FAF] =	sst s0  }
0x9: {  	[smem:$0x3FB0] =	sst s1  }
0xa: {  	[smem:$0x3FB1] =	sst s2  }
0xb: {  	[smem:$0x3FB2] =	sst s3  }
0xc: {  	[smem:$0x3FB3] =	sst s4  }
0xd: {  	[smem:$0x3FB4] =	sst s5  }
0xe: {  	[smem:$0x3FB5] =	sst s6  }
0xf: {  	[smem:$0x3FB6] =	sst s7  }
0x10: {  	[smem:$0x3FB7] =	sst s8  }
0x11: {  	[smem:$0x3FB8] =	sst s9;
	s0 =	simm.s32 @!p0 $0x0  }
0x12: {  	s1 =	sld [smem:$0x3F9E];
	s0 =	simm.s32 @p0 $0x1  }
0x13: {  	[smem:$0x3FB9] =	sst s0;
	s0 =	simm.s32 @!p1 $0x0  }
0x14: {  	s2 =	sld [smem:$0x3F9D];
	s0 =	simm.s32 @p1 $0x1  }
0x15: {  	[smem:$0x3FBA] =	sst s0;
	s0 =	simm.s32 @!p2 $0x0  }
0x16: {  	s3 =	sld [smem:$0x3FDB];
	s0 =	simm.s32 @p2 $0x1  }
0x17: {  	s4 =	simm.s32 $0x1BF5;
	[smem:$0x3FBC] =	sst s0  }
0x18: {  	s0 =	sld [smem:$0x3F9F];
	_ =	swait.ge [sflag:s4], $0x0  }
0x19: {  	s7 =	sld [smem:$0x3FA0]  }
0x1a: {  	s8 =	sadd.s32 $0xFFFFE003, lr  }
0x1b: {  	s9 =	sadd.s32 $0xFFFFFEF7, lr;
	s5 =	simm.s32 $0xFFFFFFFF;
	p2 =	slt.u32 s8, $0xFFFFF086  }
0x1c: {  	p1 =	slt.u32 s9, $0xF7A;
	s5 =	simm.s32 @!p2 $0x0  }
0x1d: {  	s5 =	simm.s32 @p1 $0x1;
	p0 =	seq.s32 s7, s2  }
0x1e: {  	s7 =	smul.u32 @!p0 $0xF7A, s2;
	p2 =	seq.s32 @!p0 s5, $0x0  }
0x1f: {  	s9 =	smul.u32 $0xF7A, s1;
	s8 =	simm.s32 @!p0 $0x1BF5;
	p2 =	por !p2, p0  }
0x20: {  	[sflag:s8] =	ssyncset.s32 @!p0 $0xFFFFF086;
	s6 =	sadd.s32 @!p0 s3, s7;
	s7 =	simm.s32 @!p0 $0x108  }
0x21: {  	s3 =	sadd.s32 s3, s9;
	s6 =	sadd.s32 @!p0 $0x88, s6;
	s7 =	simm.s32 @p2 $0x1082  }
0x22: {  	[simem:s7], [sflag:s8] =	dma.local @!p0 [hbm:s6], $0xF7A  }
0x23: {  	s9 =	sor.u32 $0xD0000000, s2;
	s6 =	simm.s32 $0x108;
	_ =	swait.ge @!p0 [sflag:s8], $0x0  }
0x24: {  	s3 =	sadd.s32 $0x88, s3;
	s6 =	simm.s32 @!p1 $0x1082;
	[sflag:s4] =	ssyncset.s32 $0xFFFFF086  }
0x25: {  	[simem:s6], [sflag:s4] =	dma.local [hbm:s3], $0xF7A  }
0x26: {  	[smem:$0x3FA0] =	sst s1;
	(tag) =	ssettag s2;
	_ =	strace s9  }
0x27: {  	s1 =	sld [smem:$0x3FB0]  }
0x28: {  	s2 =	sld [smem:$0x3FB1]  }
0x29: {  	s4 =	sld [smem:$0x3FB3]  }
0x2a: {  	p0 =	seq.s32 s5, $0x0;
	s5 =	sld [smem:$0x3FB4]  }
0x2b: {  	s6 =	sld [smem:$0x3FB5]  }
0x2c: {  	s7 =	sld [smem:$0x3FB6]  }
0x2d: {  	s3 =	simm.s32 $0x108;
	s8 =	sld [smem:$0x3FB7]  }
0x2e: {  	s3 =	simm.s32 @!p0 $0x1082;
	s9 =	sld [smem:$0x3FB8]  }
0x2f: {  	lr =	sadd.s32 s0, s3;
	s0 =	sld [smem:$0x3FAF]  }
0x30: {  	s3 =	sld [smem:$0x3FB2]  }
0x31: {  	[smem:$0x3FBB] =	sst s10  }
0x32: {  	s10 =	sld [smem:$0x3FB9];
	_ =	sdelay $0x3  }
0x33: {  	p0 =	seq.s32 s10, $0x1;
	s10 =	sld [smem:$0x3FBB];
	_ =	sdelay $0x3  }
0x34: {  	[smem:$0x3FBB] =	sst s10  }
0x35: {  	s10 =	sld [smem:$0x3FBA];
	_ =	sdelay $0x3  }
0x36: {  	p1 =	seq.s32 s10, $0x1;
	s10 =	sld [smem:$0x3FBB];
	_ =	sdelay $0x3  }
0x37: {  	[smem:$0x3FBB] =	sst s10  }
0x38: {  	s10 =	sld [smem:$0x3FBC]  }
0x39: {  	_ = 	snop;
	(pc) =	sbr.ind lr, $3  }
0x3a: {  	_ = 	snop  }
0x3b: {  	_ = 	snop  }
0x3c: {  	p2 =	seq.s32 s10, $0x1;
	s10 =	sld [smem:$0x3FBB]  }
0x3d: {  	_ =	shalt  }
0x3e: {  	_ =	shalt  }
0x3f: {  	_ =	shalt  }
0x40: {  	_ =	shalt  }
0x41: {  	_ =	shalt  }
0x42: {  	_ =	shalt  }
0x43: {  	_ =	shalt  }
0x44: {  	_ =	shalt  }
0x45: {  	_ =	shalt  }
0x46: {  	_ =	shalt  }
0x47: {  	_ =	shalt  }
0x48: {  	_ =	shalt  }
0x49: {  	_ =	shalt  }
0x4a: {  	_ =	shalt  }
0x4b: {  	_ =	shalt  }
0x4c: {  	_ =	shalt  }
0x4d: {  	_ =	shalt  }
0x4e: {  	_ =	shalt  }
0x4f: {  	_ =	shalt  }
0x50: {  	_ =	shalt  }
0x51: {  	_ =	shalt  }
0x52: {  	_ =	shalt  }
0x53: {  	_ =	shalt  }
0x54: {  	_ =	shalt  }
0x55: {  	_ =	shalt  }
0x56: {  	_ =	shalt  }
0x57: {  	_ =	shalt  }
0x58: {  	_ =	shalt  }
0x59: {  	_ =	shalt  }
0x5a: {  	_ =	shalt  }
0x5b: {  	_ =	shalt  }
0x5c: {  	_ =	shalt  }
0x5d: {  	_ =	shalt  }
0x5e: {  	_ =	shalt  }
0x5f: {  	_ =	shalt  }
0x60: {  	_ =	shalt  }
0x61: {  	_ =	shalt  }
0x62: {  	_ =	shalt  }
0x63: {  	_ =	shalt  }
0x64: {  	_ =	shalt  }
0x65: {  	_ =	shalt  }
0x66: {  	_ =	shalt  }
0x67: {  	_ =	shalt  }
0x68: {  	_ =	shalt  }
0x69: {  	_ =	shalt  }
0x6a: {  	_ =	shalt  }
0x6b: {  	_ =	shalt  }
0x6c: {  	_ =	shalt  }
0x6d: {  	_ =	shalt  }
0x6e: {  	_ =	shalt  }
0x6f: {  	_ =	shalt  }
0x70: {  	_ =	shalt  }
0x71: {  	_ =	shalt  }
0x72: {  	_ =	shalt  }
0x73: {  	_ =	shalt  }
0x74: {  	_ =	shalt  }
0x75: {  	_ =	shalt  }
0x76: {  	_ =	shalt  }
0x77: {  	_ =	shalt  }
0x78: {  	_ =	shalt  }
0x79: {  	_ =	shalt  }
0x7a: {  	_ =	shalt  }
0x7b: {  	_ =	shalt  }
0x7c: {  	_ =	shalt  }
0x7d: {  	_ =	shalt  }
0x7e: {  	_ =	shalt  }
0x7f: {  	_ =	shalt  }
0x80: {  	_ =	shalt  }
0x81: {  	_ =	shalt  }
0x82: {  	_ =	shalt  }
0x83: {  	_ =	shalt  }
0x84: {  	_ =	shalt  }
0x85: {  	_ =	shalt  }
0x86: {  	_ =	shalt  }
0x87: {  	_ =	shalt  }
.Lfunc_end0:
.L_simem_size_0:
called_computation_lowered:
.L_overlay_start_0:
0x88: {  	s2 =	sld [smem:$0x3FD9]  }
0x89: {  	s3 =	sld [smem:$0x3FFE];
	_ =	sdelay $0x1  }
0x8a: {  	s1 =	srdreg.scid  }
0x8b: {  	s0 =	sand.u32 $0x1, s1  }
0x8c: {  	s17 =	sshll.u32 s0, $0xA;
	s2 =	sadd.s32 s3, s2  }
0x8d: {  	s2 =	sadd.s32 s2, s17  }
0x8e: {  	[smem:$0x3FC7] =	sst s2  }
0x8f: {  	_ = 	snop  }
0x90: {  	s2 =	sld [smem:$0x3FD0];
	(tm) =	ssettm $0x1  }
0x91: {  	s18 =	sld [smem:$0x3FFB];
	_ =	sdelay $0x3  }
0x92: {  	_ =	strace s18  }
0x93: {  	s3 =	sld [smem:$0x3FFC];
	_ =	sdelay $0x3  }
0x94: {  	_ =	strace s3  }
0x95: {  	s3 =	sld [smem:$0x3FFD];
	_ =	sdelay $0x3  }
0x96: {  	_ =	strace s3  }
0x97: {  	_ =	strace $0x8FFFFFFF  }
0x98: {  	s19 =	sld [smem:$0x3FDB];
	_ =	sdelay $0x1  }
0x99: {  	s4 =	simm.s32 $_scs_section_size  }
0x9a: {  	s5 =	simm.s32 $_size__tile_overlayer_lowered;
	s6 =	simm.s32 $_tile_overlayer_lowered  }
0x9b: {  	s22 =	simm.s32 $0x1BFF;
	s21 =	sshll.u32 s6, $0x1;
	s3 =	sadd.s32 s4, s19  }
0x9c: {  	s7 =	simm.s32 $0x0;
	s20 =	sshll.u32 s5, $0x1;
	s5 =	sadd.s32 s21, s3  }
0x9d: {  	[timem:s7], [sflag:s22] =	dma.local [hbm:s5], s20  }
0x9e: {  	_ =	swait.ge [sflag:s22], s20  }
0x9f: {  	s4 =	ssub.s32 $0x0, s20;
	[sflag:s22] =	ssyncset.done $0x0  }
0xa0: {  	[sflag:s22] =	ssyncadd.s32 s4;
	_ =	sdelay $0x1  }
0xa1: {  	s23 =	simm.s32 $0x1B8B  }
0xa2: {  	_ =	swait.ge [sflag:s23], $0x1  }
0xa3: {  	[sflag:s23] =	ssyncset.done $0x0  }
0xa4: {  	s25 =	simm.s32 $0x1B8E;
	s24 =	sld [smem:$0x3FFE];
	[sflag:s23] =	ssyncadd.s32 $0xFFFFFFFF  }
0xa5: {  	s26 =	simm.s32 $execute0_lowered;
	[smem:$0x3FD2] =	sst s25  }
0xa6: {  	s5 =	sshll.u32 s26, $0x1;
	_ =	strace $0x80000046;
	[dreg:$0x1] =	wrdreg $0xFFFFFFFF  }
0xa7: {  	s28 =	simm.s32 $_size_execute0_lowered;
	s3 =	sadd.s32 s3, s5;
	[dreg:$0x0] =	wrdreg $0x0  }
0xa8: {  	s5 =	sshll.u32 s28, $0x1;
	[dreg:$0x2] =	wrdreg s3  }
0xa9: {  	[dreg:$0x3] =	wrdreg s5  }
0xaa: {  	[dreg:$0x4] =	wrdreg $0xC0  }
0xab: {  	_ =	task [dreg:s7], $0x5FFFF  }
0xac: {  	[dreg:$0x1] =	wrdreg $0xFFFFFFFF  }
0xad: {  	[dreg:$0x0] =	wrdreg $0x60  }
0xae: {  	[dreg:$0x2] =	wrdreg s2  }
0xaf: {  	[dreg:$0x3] =	wrdreg s24  }
0xb0: {  	[dreg:$0x4] =	wrdreg $0x9  }
0xb1: {  	_ =	task.clear_ibuf [dreg:s7], $0x5FFFF;
	_ =	strace $0x90000046  }
0xb2: {  	s29 =	simm.s32 $0x9;
	_ =	strace $0x80000048  }
0xb3: {  	_ =	swait.ge [sflag:s29], $0x1  }
0xb4: {  	[sflag:s29] =	ssyncadd.s32 $0xFFFFFFFF  }
0xb5: {  	_ =	strace $0x90000048  }
0xb6: {  	_ =	sfence  }
0xb7: {  	s30 =	sld [smem:$0x0];
	_ =	sdelay $0x2  }
0xb8: {  	s31 =	sshll.u32 s1, $0xD;
	s1 =	sshrl.u32 s1, $0x2  }
0xb9: {  	s3 =	sand.u32 $0x4000, s31;
	s1 =	sadd.s32 s1, s30  }
0xba: {  	s0 =	sor.u32 s3, s0;
	s1 =	sshll.u32 s1, $0x11  }
0xbb: {  	s0 =	sor.u32 s1, s0  }
0xbc: {  	s0 =	sadd.s32 $0x8F2B, s0  }
0xbd: {  	[sflag:s0] =	ssyncadd.remote.s32 $0x1  }
0xbe: {  	_ =	sfence.sel $0xFFFF  }
0xbf: {  	[dreg:$0x0] =	wrdreg $0xFFFFFFFF;
	(pc) =	sbr.abs _section_cstart, $3  }
0xc0: {  	[dreg:$0x1] =	wrdreg $0xFFFFFFFF  }
0xc1: {  	_ =	task.clear_ibuf [dreg:s7], $0x2FFFF;
	_ =	strace $0x9FFFFFFF  }
0xc2: {  	(tm) =	ssettm $0x7FFFFFFF  }
0xc3: {  	_ =	shalt  }
tec
execute0_lowered:
.L_overlay_start_1:
0x0: {  	(tag) =	ssettag $0x1  }
0x1: {  	s6 =	rddreg [dreg:$0x0]  }
0x2: {  	s3 =	rddreg [dreg:$0x1]  }
0x3: {  	s0 =	rddreg [dreg:$0x2];
	s1 =	simm.s32 $0x0  }
0x4: {  	s2 =	srdreg.scid;
	s13 =	simm.s32 $0x2;
	s14 =	simm.s32 $0x3  }
0x5: {  	s15 =	simm.s32 $0x4;
	s16 =	simm.s32 $0x5;
	s17 =	simm.s32 $0x6  }
0x6: {  	s18 =	simm.s32 $0x7;
	s19 =	simm.s32 $0x8;
	s20 =	simm.s32 $0x0  }
0x7: {  	[smem:$0x7FF] =	sst s1;
	s4 =	sand.u32 $0x1, s2;
	s2 =	stileid.u32  }
0x8: {  	s5 =	ssub.s32 $0x2, s4;
	s8 =	sshll.u32 s2, $0xD;
	s4 =	sshll.u32 s4, $0xC  }
0x9: {  	s10 =	sadd.s32 $0x400, s3;
	s7 =	sshrl.u32 s5, $0x1;
	s31 =	sor.u32 s4, s8  }
0xa: {  	_ =	strace $0x80000047;
	s11 =	ssub.s32 s5, s7;
	s3 =	sadd.s32 s6, s31  }
0xb: {  	s8 =	sor.u32 $0x400, s31;
	s9 =	sor.u32 $0x800, s31;
	s12 =	sor.u32 $0xC00, s31  }
0xc: {  	s7 =	sadd.s32 s10, s31;
	s4 =	sadd.s32 s6, s8;
	s5 =	sadd.s32 s6, s9  }
0xd: {  	s6 =	sadd.s32 s6, s12;
	s8 =	sadd.s32 s10, s8;
	s9 =	sadd.s32 s10, s9  }
0xe: {  	s10 =	sadd.s32 s10, s12;
	s11 =	smax.u32 s11, $0x1;
	s12 =	simm.s32 $0x1  }
.LBB2_1:
0xf: {  	s21 =	simm.s32 $0x10  }
0x10: {  	s24 =	sadd.s32 $0x0, s3;
	s22 =	simm.s32 $0x200;
	s23 =	simm.s32 $0x0  }
.LBB2_2:
0x11: {  	[tilespmem:s23], [sflag:$0x1] =	stream.linear.gather [hbm4b:s24+s1], $0x80, $0x38;
	[tilespmem:$0x8000] =	vst v63  }
0x12: {  	s24 =	smov.u32 s21;
	s23 =	smov.u32 s22;
	p0 =	sne.s32 s21, $0x3F0  }
.Ltmp0:
0x13: {  	s21 =	sadd.s32 $0x10, s21;
	(pc) =	sbr.rel @p0 .LBB2_2-.Ltmp0, $2  }
0x14: {  	_ =	sdelay $0x2  }
0x15: {  	s22 =	sadd.s32 $0x200, s22;
	s24 =	sadd.s32 s24, s3  }
0x16: {  	[tilespmem:s23], [sflag:$0x1] =	stream.linear.gather [hbm4b:s24+s1], $0x80, $0x38;
	[tilespmem:$0x8000] =	vst v63  }
0x17: {  	s21 =	simm.s32 $0x80  }
0x18: {  	s22 =	simm.s32 $0x10;
	s24 =	sadd.s32 $0x0, s4;
	s23 =	simm.s32 $0x280  }
.LBB2_4:
0x19: {  	[tilespmem:s21], [sflag:$0x2] =	stream.linear.gather [hbm4b:s24+s1], $0x80, $0x38;
	[tilespmem:$0x8000] =	vst v63  }
0x1a: {  	s24 =	smov.u32 s22;
	s21 =	smov.u32 s23;
	p0 =	sne.s32 s22, $0x3F0  }
.Ltmp1:
0x1b: {  	s22 =	sadd.s32 $0x10, s22;
	(pc) =	sbr.rel @p0 .LBB2_4-.Ltmp1, $2  }
0x1c: {  	_ =	sdelay $0x2  }
0x1d: {  	s23 =	sadd.s32 $0x200, s23;
	s24 =	sadd.s32 s24, s4  }
0x1e: {  	[tilespmem:s21], [sflag:$0x2] =	stream.linear.gather [hbm4b:s24+s1], $0x80, $0x38;
	[tilespmem:$0x8000] =	vst v63  }
0x1f: {  	s21 =	simm.s32 $0x100  }
0x20: {  	s22 =	simm.s32 $0x10;
	s24 =	sadd.s32 $0x0, s5;
	s23 =	simm.s32 $0x300  }
.LBB2_6:
0x21: {  	[tilespmem:s21], [sflag:$0x3] =	stream.linear.gather [hbm4b:s24+s1], $0x80, $0x38;
	[tilespmem:$0x8000] =	vst v63  }
0x22: {  	s24 =	smov.u32 s22;
	s21 =	smov.u32 s23;
	p0 =	sne.s32 s22, $0x3F0  }
.Ltmp2:
0x23: {  	s22 =	sadd.s32 $0x10, s22;
	(pc) =	sbr.rel @p0 .LBB2_6-.Ltmp2, $2  }
0x24: {  	_ =	sdelay $0x2  }
0x25: {  	s23 =	sadd.s32 $0x200, s23;
	s24 =	sadd.s32 s24, s5  }
0x26: {  	[tilespmem:s21], [sflag:$0x3] =	stream.linear.gather [hbm4b:s24+s1], $0x80, $0x38;
	[tilespmem:$0x8000] =	vst v63  }
0x27: {  	s21 =	simm.s32 $0x180  }
0x28: {  	s22 =	simm.s32 $0x10;
	s24 =	sadd.s32 $0x0, s6;
	s23 =	simm.s32 $0x380  }
.LBB2_8:
0x29: {  	[tilespmem:s21], [sflag:$0x4] =	stream.linear.gather [hbm4b:s24+s1], $0x80, $0x38;
	[tilespmem:$0x8000] =	vst v63  }
0x2a: {  	s24 =	smov.u32 s22;
	s21 =	smov.u32 s23;
	p0 =	sne.s32 s22, $0x3F0  }
.Ltmp3:
0x2b: {  	s22 =	sadd.s32 $0x10, s22;
	(pc) =	sbr.rel @p0 .LBB2_8-.Ltmp3, $2  }
0x2c: {  	_ =	sdelay $0x2  }
0x2d: {  	s23 =	sadd.s32 $0x200, s23;
	s24 =	sadd.s32 s24, s6  }
0x2e: {  	[tilespmem:s21], [sflag:$0x4] =	stream.linear.gather [hbm4b:s24+s1], $0x80, $0x38;
	[tilespmem:$0x8000] =	vst v63  }
0x2f: {  	_ =	swait.ge [sflag:s12], $0x2000  }
0x30: {  	s21 =	simm.s32 $0x0;
	s22 =	simm.s32 $0x10;
	[sflag:s12] =	ssyncset.done $0x0  }
0x31: {  	s24 =	sadd.s32 $0x0, s7;
	s23 =	simm.s32 $0x200;
	[sflag:s12] =	ssyncadd.s32 $0xFFFFE000  }
.LBB2_10:
0x32: {  	[hbm4b:s24+s1] =	stream.linear.scatter [tilespmem:s21], [sflag:$0x5], $0x80, $0x38;
	[tilespmem:$0x8000] =	vst v63  }
0x33: {  	s24 =	smov.u32 s22;
	s21 =	smov.u32 s23;
	p0 =	sne.s32 s22, $0x3F0  }
.Ltmp4:
0x34: {  	s22 =	sadd.s32 $0x10, s22;
	(pc) =	sbr.rel @p0 .LBB2_10-.Ltmp4, $2  }
0x35: {  	_ =	sdelay $0x2  }
0x36: {  	s23 =	sadd.s32 $0x200, s23;
	s24 =	sadd.s32 s24, s7  }
0x37: {  	[hbm4b:s24+s1] =	stream.linear.scatter [tilespmem:s21], [sflag:$0x5], $0x80, $0x38;
	[tilespmem:$0x8000] =	vst v63  }
0x38: {  	_ =	swait.ge [sflag:s13], $0x2000  }
0x39: {  	s21 =	simm.s32 $0x80;
	s22 =	simm.s32 $0x10;
	[sflag:s13] =	ssyncset.done $0x0  }
0x3a: {  	s24 =	sadd.s32 $0x0, s8;
	s23 =	simm.s32 $0x280;
	[sflag:s13] =	ssyncadd.s32 $0xFFFFE000  }
.LBB2_12:
0x3b: {  	[hbm4b:s24+s1] =	stream.linear.scatter [tilespmem:s21], [sflag:$0x6], $0x80, $0x38;
	[tilespmem:$0x8000] =	vst v63  }
0x3c: {  	s24 =	smov.u32 s22;
	s21 =	smov.u32 s23;
	p0 =	sne.s32 s22, $0x3F0  }
.Ltmp5:
0x3d: {  	s22 =	sadd.s32 $0x10, s22;
	(pc) =	sbr.rel @p0 .LBB2_12-.Ltmp5, $2  }
0x3e: {  	_ =	sdelay $0x2  }
0x3f: {  	s23 =	sadd.s32 $0x200, s23;
	s24 =	sadd.s32 s24, s8  }
0x40: {  	[hbm4b:s24+s1] =	stream.linear.scatter [tilespmem:s21], [sflag:$0x6], $0x80, $0x38;
	[tilespmem:$0x8000] =	vst v63  }
0x41: {  	_ =	swait.ge [sflag:s14], $0x2000  }
0x42: {  	s21 =	simm.s32 $0x100;
	s22 =	simm.s32 $0x10;
	[sflag:s14] =	ssyncset.done $0x0  }
0x43: {  	s24 =	sadd.s32 $0x0, s9;
	s23 =	simm.s32 $0x300;
	[sflag:s14] =	ssyncadd.s32 $0xFFFFE000  }
.LBB2_14:
0x44: {  	[hbm4b:s24+s1] =	stream.linear.scatter [tilespmem:s21], [sflag:$0x7], $0x80, $0x38;
	[tilespmem:$0x8000] =	vst v63  }
0x45: {  	s24 =	smov.u32 s22;
	s21 =	smov.u32 s23;
	p0 =	sne.s32 s22, $0x3F0  }
.Ltmp6:
0x46: {  	s22 =	sadd.s32 $0x10, s22;
	(pc) =	sbr.rel @p0 .LBB2_14-.Ltmp6, $2  }
0x47: {  	_ =	sdelay $0x2  }
0x48: {  	s23 =	sadd.s32 $0x200, s23;
	s24 =	sadd.s32 s24, s9  }
0x49: {  	[hbm4b:s24+s1] =	stream.linear.scatter [tilespmem:s21], [sflag:$0x7], $0x80, $0x38;
	[tilespmem:$0x8000] =	vst v63  }
0x4a: {  	_ =	swait.ge [sflag:s15], $0x2000  }
0x4b: {  	s21 =	simm.s32 $0x180;
	s22 =	simm.s32 $0x10;
	[sflag:s15] =	ssyncset.done $0x0  }
0x4c: {  	s24 =	sadd.s32 $0x0, s10;
	s23 =	simm.s32 $0x380;
	[sflag:s15] =	ssyncadd.s32 $0xFFFFE000  }
.LBB2_16:
0x4d: {  	[hbm4b:s24+s1] =	stream.linear.scatter [tilespmem:s21], [sflag:$0x8], $0x80, $0x38;
	[tilespmem:$0x8000] =	vst v63  }
0x4e: {  	s24 =	smov.u32 s22;
	s21 =	smov.u32 s23;
	p0 =	sne.s32 s22, $0x3F0  }
.Ltmp7:
0x4f: {  	s22 =	sadd.s32 $0x10, s22;
	(pc) =	sbr.rel @p0 .LBB2_16-.Ltmp7, $2  }
0x50: {  	_ =	sdelay $0x2  }
0x51: {  	s23 =	sadd.s32 $0x200, s23;
	s24 =	sadd.s32 s24, s10  }
0x52: {  	[hbm4b:s24+s1] =	stream.linear.scatter [tilespmem:s21], [sflag:$0x8], $0x80, $0x38;
	[tilespmem:$0x8000] =	vst v63  }
0x53: {  	_ =	swait.ge [sflag:s16], $0x2000  }
0x54: {  	[sflag:s16] =	ssyncset.done $0x0  }
0x55: {  	[sflag:s16] =	ssyncadd.s32 $0xFFFFE000  }
0x56: {  	_ =	swait.ge [sflag:s17], $0x2000  }
0x57: {  	[sflag:s17] =	ssyncset.done $0x0  }
0x58: {  	s20 =	sadd.s32 $0x1, s20;
	[sflag:s17] =	ssyncadd.s32 $0xFFFFE000  }
0x59: {  	p0 =	sne.s32 s20, s11;
	_ =	swait.ge [sflag:s18], $0x2000  }
.Ltmp8:
0x5a: {  	[sflag:s18] =	ssyncset.done $0x0;
	(pc) =	sbr.rel @p0 .LBB2_1-.Ltmp8, $4  }
0x5b: {  	[sflag:s18] =	ssyncadd.s32 $0xFFFFE000  }
0x5c: {  	_ =	swait.ge [sflag:s19], $0x2000  }
0x5d: {  	[sflag:s19] =	ssyncset.done $0x0  }
0x5e: {  	[sflag:s19] =	ssyncadd.s32 $0xFFFFE000  }
0x5f: {  	_ =	sfence.sel $0x180000  }
0x60: {  	[bflag:$0x0] =	sbarrier.arrive $0xFFFF  }
0x61: {  	p0 =	sne.s32 s2, $0x0;
	_ =	strace $0x90000047  }
0x62: {  	s0 =	sadd.s32 @!p0 $0x100000, s0;
	[bflag:$0x2] =	sbarrier.arrive $0xFFFF  }
0x63: {  	[sflag:s0] =	ssyncadd.tile.s32 @!p0 $0x1;
	_ =	shalt  }
.Lfunc_end2:
_tile_overlayer_lowered:
.L_overlay_start_2:
0x64: {  	(tag) =	ssettag $0x2  }
0x65: {  	s0 =	rddreg [dreg:$0x0];
	s2 =	stileid.u32  }
0x66: {  	s1 =	rddreg [dreg:$0x1];
	p0 =	sne.s32 s2, $0x0  }
0x67: {  	s3 =	rddreg [dreg:$0x2];
	[bflag:$0x3] =	sbarrier.arrive $0xFFFF;
	s2 =	simm.s32 @!p0 $0x1C09  }
0x68: {  	[timem:s3], [sflag:s2] =	dma.local @!p0 [hbm:s0], s1  }
0x69: {  	s0 =	simm.s32 @!p0 $0x9  }
0x6a: {  	_ =	swait.ge @!p0 [sflag:s0], s1  }
0x6b: {  	s1 =	ssub.s32 @!p0 $0x0, s1;
	[sflag:s0] =	ssyncset.done @!p0 $0x0  }
0x6c: {  	[sflag:s0] =	ssyncadd.s32 @!p0 s1  }
0x6d: {  	[bflag:$0x3] =	sbarrier.arrive $0xFFFF  }
0x6e: {  	_ =	shalt  }

</sc_bundles>
